<compile_context>
chip_gen: v7x
topology: tpu7x:2x2x1
jax: 0.10.2.dev20260603
libtpu: 0.0.44.dev20260713+nightly
codegen_flags: <defaults>
</compile_context>

<pallas_src>
import functools

import jax
import jax.numpy as jnp
from jax import lax
from jax.experimental import pallas as pl
from jax.experimental.pallas import tpu as pltpu
from jax.experimental.pallas import tpu_sc as plsc

N = 10000
E = 320000
H = 128
N_BLK = 400

NW = 32
NPT = 320
N_PAD = NW * NPT
ECAP = 12288
KR = 128
CE = 4096
E_PAD = ((E + CE - 1) // CE) * CE
NEG = float("-inf")


def _k0_body(x_ref, wz_ref, wr_ref, wh_ref, bz_ref, br_ref, bh_ref,
             xz_ref, xr_ref, xh_ref, h1_ref):
    x = x_ref[...]
    xz = x @ wz_ref[...] + bz_ref[...]
    xr = x @ wr_ref[...] + br_ref[...]
    xh = x @ wh_ref[...] + bh_ref[...]
    xz_ref[...] = xz
    xr_ref[...] = xr
    xh_ref[...] = xh
    h1_ref[...] = jax.nn.sigmoid(xz) * jnp.tanh(xh)


def _k1_body(h_ref, wg_ref, asrc_ref, adst_ref, hw_ref, s_ref, t_ref):
    hw = h_ref[...] @ wg_ref[...]
    hw_ref[...] = hw
    s_ref[...] = hw @ asrc_ref[...]
    t_ref[...] = hw @ adst_ref[...]


def _k2_body(agg_ref, xz_ref, xr_ref, xh_ref, uz_ref, ur_ref, uh_ref,
             out_ref):
    agg = agg_ref[...]
    z = jax.nn.sigmoid(xz_ref[...] + agg @ uz_ref[...])
    r = jax.nn.sigmoid(xr_ref[...] + agg @ ur_ref[...])
    htil = jnp.tanh(xh_ref[...] + (r * agg) @ uh_ref[...])
    out_ref[...] = (1.0 - z) * agg + z * htil


def _row_spec():
    return pl.BlockSpec((N_BLK, H), lambda i: (i, 0))


def _full_spec(shape):
    return pl.BlockSpec(shape, lambda i: tuple(0 for _ in shape))


_GRID = (N // N_BLK,)


@jax.jit
def _k0(x, wz, wr, wh, bz, br, bh):
    f = pl.pallas_call(
        _k0_body,
        grid=_GRID,
        in_specs=[_row_spec()] + [_full_spec((H, H))] * 3
        + [_full_spec((1, H))] * 3,
        out_specs=[_row_spec()] * 4,
        out_shape=[jax.ShapeDtypeStruct((N, H), jnp.float32)] * 4,
    )
    return f(x, wz, wr, wh, bz.reshape(1, H), br.reshape(1, H),
             bh.reshape(1, H))


@jax.jit
def _k1(h, wg, a_src, a_dst):
    f = pl.pallas_call(
        _k1_body,
        grid=_GRID,
        in_specs=[_row_spec(), _full_spec((H, H)), _full_spec((H, 1)),
                  _full_spec((H, 1))],
        out_specs=[_row_spec(), pl.BlockSpec((N_BLK, 1), lambda i: (i, 0)),
                   pl.BlockSpec((N_BLK, 1), lambda i: (i, 0))],
        out_shape=[jax.ShapeDtypeStruct((N, H), jnp.float32),
                   jax.ShapeDtypeStruct((N, 1), jnp.float32),
                   jax.ShapeDtypeStruct((N, 1), jnp.float32)],
    )
    return f(h, wg, a_src.reshape(H, 1), a_dst.reshape(H, 1))


@jax.jit
def _k2(agg, xz, xr, xh, uz, ur, uh):
    f = pl.pallas_call(
        _k2_body,
        grid=_GRID,
        in_specs=[_row_spec()] * 4 + [_full_spec((H, H))] * 3,
        out_specs=_row_spec(),
        out_shape=jax.ShapeDtypeStruct((N, H), jnp.float32),
    )
    return f(agg, xz, xr, xh, uz, ur, uh)


def _sc_bin_body(src_hbm, dst_hbm, srcb_hbm, dstb_hbm, cnt_hbm,
                 sbuf0, dbuf0, sbuf1, dbuf1, src_loc, dst_loc, cnt16_v,
                 semA, semB):
    wid = lax.axis_index("s") * 2 + lax.axis_index("c")
    n0 = wid * NPT

    def memset_body(i, _):
        src_loc[pl.ds(i * 16, 16)] = jnp.zeros((16,), jnp.int32)
        dst_loc[pl.ds(i * 16, 16)] = jnp.full((16,), N_PAD, jnp.int32)
        return 0
    lax.fori_loop(0, (ECAP + 16) // 16, memset_body, 0)

    def start_pair(c, sb, db, sem):
        pltpu.make_async_copy(src_hbm.at[pl.ds(c * CE, CE)], sb, sem).start()
        pltpu.make_async_copy(dst_hbm.at[pl.ds(c * CE, CE)], db, sem).start()

    def wait_pair(c, sb, db, sem):
        pltpu.make_async_copy(src_hbm.at[pl.ds(c * CE, CE)], sb, sem).wait()
        pltpu.make_async_copy(dst_hbm.at[pl.ds(c * CE, CE)], db, sem).wait()

    def scan(sb, db, cnt):
        def g_body(g, cnt):
            sl = pl.ds(g * 16, 16)
            d16 = db[sl]
            s16 = sb[sl]
            m = (d16 >= n0) & (d16 < n0 + NPT)
            plsc.store_compressed(src_loc.at[pl.ds(cnt, 16)], s16, mask=m)
            plsc.store_compressed(dst_loc.at[pl.ds(cnt, 16)], d16, mask=m)
            return cnt + plsc.all_reduce_population_count(m)[0]
        return lax.fori_loop(0, CE // 16, g_body, cnt)

    start_pair(0, sbuf0, dbuf0, semA)

    def pbody(p, cnt):
        c0 = 2 * p
        start_pair(c0 + 1, sbuf1, dbuf1, semB)
        wait_pair(c0, sbuf0, dbuf0, semA)
        cnt = scan(sbuf0, dbuf0, cnt)
        start_pair(c0 + 2, sbuf0, dbuf0, semA)
        wait_pair(c0 + 1, sbuf1, dbuf1, semB)
        return scan(sbuf1, dbuf1, cnt)
    cnt = lax.fori_loop(0, (E_PAD // CE) // 2, pbody, 0)
    wait_pair(E_PAD // CE - 1, sbuf0, dbuf0, semA)
    cnt = scan(sbuf0, dbuf0, cnt)

    cnt16_v[...] = jnp.full((16,), cnt, jnp.int32)
    pltpu.sync_copy(cnt16_v, cnt_hbm.at[pl.ds(wid * 16, 16)])
    pltpu.sync_copy(src_loc.at[pl.ds(0, ECAP)],
                    srcb_hbm.at[pl.ds(wid * ECAP, ECAP)])
    pltpu.sync_copy(dst_loc.at[pl.ds(0, ECAP)],
                    dstb_hbm.at[pl.ds(wid * ECAP, ECAP)])


@jax.jit
def _sc_bin(src_p, dst_p):
    mesh = plsc.VectorSubcoreMesh(core_axis_name="c", subcore_axis_name="s")
    f = pl.kernel(
        _sc_bin_body,
        mesh=mesh,
        compiler_params=pltpu.CompilerParams(needs_layout_passes=False),
        out_type=[jax.ShapeDtypeStruct((NW * ECAP,), jnp.int32),
                  jax.ShapeDtypeStruct((NW * ECAP,), jnp.int32),
                  jax.ShapeDtypeStruct((NW * 16,), jnp.int32)],
        scratch_types=[
            pltpu.VMEM((CE,), jnp.int32),
            pltpu.VMEM((CE,), jnp.int32),
            pltpu.VMEM((CE,), jnp.int32),
            pltpu.VMEM((CE,), jnp.int32),
            pltpu.VMEM((ECAP + 16,), jnp.int32),
            pltpu.VMEM((ECAP + 16,), jnp.int32),
            pltpu.VMEM((16,), jnp.int32),
            pltpu.SemaphoreType.DMA,
            pltpu.SemaphoreType.DMA,
        ],
    )
    return f(src_p, dst_p)


def _sc_edge_body(hw_hbm, s_hbm, t_hbm, srcb_hbm, dstb_hbm, cnt_hbm, out_hbm,
                  s_v, t_v, dinv_v, cnt16_v, srcs_v, dstg_v, alpha_v,
                  rows0_v, rows1_v, agg_v, sem0, sem1):
    wid = lax.axis_index("s") * 2 + lax.axis_index("c")
    n0 = wid * NPT

    pltpu.sync_copy(s_hbm, s_v)
    pltpu.sync_copy(t_hbm.at[pl.ds(n0, NPT)], t_v)
    pltpu.sync_copy(cnt_hbm.at[pl.ds(wid * 16, 16)], cnt16_v)
    cnt = cnt16_v[...][0]
    pltpu.sync_copy(srcb_hbm.at[pl.ds(wid * ECAP, ECAP)],
                    srcs_v.at[pl.ds(0, ECAP)])
    pltpu.sync_copy(dstb_hbm.at[pl.ds(wid * ECAP, ECAP)],
                    dstg_v.at[pl.ds(0, ECAP)])

    lanes = lax.iota(jnp.int32, 16)
    ngrp = (cnt + 15) // 16

    def zero_body(i, _):
        dinv_v[pl.ds(i * 16, 16)] = jnp.zeros((16,), jnp.float32)
        return 0
    lax.fori_loop(0, NPT // 16, zero_body, 0)

    def agg_init(d, _):
        for r in range(8):
            agg_v[d, pl.ds(r * 16, 16)] = jnp.full((16,), NEG, jnp.float32)
        return 0
    lax.fori_loop(0, NPT, agg_init, 0)

    def p1_body(g, _):
        sl = pl.ds(g * 16, 16)
        valid = (g * 16 + lanes) < cnt
        srcv = srcs_v[sl]
        dlv = jnp.where(valid, dstg_v[sl] - n0, 0)
        sg = plsc.load_gather(s_v, [srcv])
        tg = plsc.load_gather(t_v, [dlv])
        e = sg + tg
        e = jnp.where(e >= 0.0, e, 0.2 * e)
        w = jnp.where(valid, jnp.exp(e), 0.0)
        alpha_v[sl] = w
        plsc.addupdate_scatter(dinv_v, [dlv], w)
        return 0
    lax.fori_loop(0, ngrp, p1_body, 0)

    def inv_body(i, _):
        sl = pl.ds(i * 16, 16)
        dinv_v[sl] = 1.0 / dinv_v[sl]
        return 0
    lax.fori_loop(0, NPT // 16, inv_body, 0)

    def a_body(g, _):
        sl = pl.ds(g * 16, 16)
        valid = (g * 16 + lanes) < cnt
        dlv = jnp.where(valid, dstg_v[sl] - n0, 0)
        alpha_v[sl] = alpha_v[sl] * plsc.load_gather(dinv_v, [dlv])
        return 0
    lax.fori_loop(0, ngrp, a_body, 0)

    nch = (cnt + KR - 1) // KR

    def start_gather(c, buf, sem):
        pltpu.make_async_copy(
            hw_hbm.at[srcs_v.at[pl.ds(c * KR, KR)]], buf, sem).start()

    def wait_gather(c, buf, sem):
        pltpu.make_async_copy(
            hw_hbm.at[srcs_v.at[pl.ds(c * KR, KR)]], buf, sem).wait()

    def consume(c, buf):
        def grp_body(gq, _):
            base = c * KR + gq * 16
            dl16 = dstg_v[pl.ds(base, 16)] - n0
            al16 = alpha_v[pl.ds(base, 16)]
            val16 = ((base + lanes) < cnt).astype(jnp.int32)
            for j in range(16):
                valid = val16[j] != 0
                dl = jnp.where(valid, dl16[j], 0)
                ab = jnp.full((16,), al16[j], jnp.float32)
                vb = jnp.full((16,), valid, jnp.bool_)
                for r in range(8):
                    sl = pl.ds(r * 16, 16)
                    rowv = buf[gq * 16 + j, sl]
                    aggv = agg_v[dl, sl]
                    newv = jnp.maximum(aggv, ab * rowv)
                    agg_v[dl, sl] = jnp.where(vb, newv, aggv)
            return 0
        lax.fori_loop(0, KR // 16, grp_body, 0)

    nchm1 = jnp.maximum(nch - 1, 0)
    start_gather(0, rows0_v, sem0)

    def pair_body(p, _):
        c0 = 2 * p
        c1 = jnp.minimum(c0 + 1, nchm1)
        c2 = jnp.minimum(c0 + 2, nchm1)
        start_gather(c1, rows1_v, sem1)
        wait_gather(c0, rows0_v, sem0)
        consume(c0, rows0_v)
        start_gather(c2, rows0_v, sem0)
        wait_gather(c1, rows1_v, sem1)
        consume(c0 + 1, rows1_v)
        return 0
    lax.fori_loop(0, (nch + 1) // 2, pair_body, 0)
    wait_gather(0, rows0_v, sem0)

    def fin_body(d, _):
        for r in range(8):
            sl = pl.ds(r * 16, 16)
            v = agg_v[d, sl]
            elu = jnp.where(v > 0.0, v, jnp.exp(v) - 1.0)
            agg_v[d, sl] = jnp.where(v < -3e38, 0.0, elu)
        return 0
    lax.fori_loop(0, NPT, fin_body, 0)
    pltpu.sync_copy(agg_v, out_hbm.at[pl.ds(n0, NPT)])


@jax.jit
def _sc_edge(hw, s_pad, t_pad, srcb, dstb, cnt):
    mesh = plsc.VectorSubcoreMesh(core_axis_name="c", subcore_axis_name="s")
    f = pl.kernel(
        _sc_edge_body,
        mesh=mesh,
        compiler_params=pltpu.CompilerParams(needs_layout_passes=False),
        out_type=jax.ShapeDtypeStruct((N_PAD, H), jnp.float32),
        scratch_types=[
            pltpu.VMEM((N_PAD,), jnp.float32),
            pltpu.VMEM((NPT,), jnp.float32),
            pltpu.VMEM((NPT,), jnp.float32),
            pltpu.VMEM((16,), jnp.int32),
            pltpu.VMEM((ECAP + 16,), jnp.int32),
            pltpu.VMEM((ECAP + 144,), jnp.int32),
            pltpu.VMEM((ECAP + 144,), jnp.float32),
            pltpu.VMEM((KR, H), jnp.float32),
            pltpu.VMEM((KR, H), jnp.float32),
            pltpu.VMEM((NPT, H), jnp.float32),
            pltpu.SemaphoreType.DMA,
            pltpu.SemaphoreType.DMA,
        ],
    )
    return f(hw, s_pad, t_pad, srcb, dstb, cnt)


def kernel(x, edge_index, Wg, a_src, a_dst, Wz, Uz, bz, Wr, Ur, br,
           Wh, Uh, bh):
    src = edge_index[0]
    dst = edge_index[1]
    src_p = jnp.pad(src, (0, E_PAD - E))
    dst_p = jnp.pad(dst, (0, E_PAD - E), constant_values=N_PAD)
    srcb, dstb, cnt = _sc_bin(src_p, dst_p)

    xz, xr, xh, h = _k0(x, Wz, Wr, Wh, bz, br, bh)
    for _ in range(2):
        hw, s, t = _k1(h, Wg, a_src, a_dst)
        s_pad = jnp.pad(s[:, 0], (0, N_PAD - N))
        t_pad = jnp.pad(t[:, 0], (0, N_PAD - N))
        agg = _sc_edge(hw, s_pad, t_pad, srcb, dstb, cnt)[:N]
        h = _k2(agg, xz, xr, xh, Uz, Ur, Uh)
    return h

# --- scband reference (transcript-rebuilt; emitter-appended) ---
"""Pipeline reference for scband-recursive-association-neural-networks-81243601371201 (READ-ONLY COPY).

The authoritative reference and input builder live on the scoring server;
editing this copy changes nothing except your own understanding.
"""

import jax, jax.numpy as jnp
import numpy as np

N = 10000
E = 320000
DIN = 128
H = 128
LEVELS = 3

def setup_inputs(seed: int = 0) -> dict:
    key = jax.random.key(seed)
    ks = jax.random.split(key, 16)
    s = 0.05
    d = {}
    d['x'] = jax.random.normal(ks[0], (N, DIN), dtype=jnp.float32)
    d['edge_index'] = jax.random.randint(ks[1], (2, E), 0, N, dtype=jnp.int32)
    # GraphAttentionLayer params (on hidden_dim)
    d['Wg'] = jax.random.normal(ks[2], (H, H), dtype=jnp.float32) * s
    d['a_src'] = jax.random.normal(ks[3], (H,), dtype=jnp.float32) * s
    d['a_dst'] = jax.random.normal(ks[4], (H,), dtype=jnp.float32) * s
    # GatedRecurrentUnit params (input_dim_with_bias -> hidden_dim)
    d['Wz'] = jax.random.normal(ks[5], (DIN, H), dtype=jnp.float32) * s
    d['Uz'] = jax.random.normal(ks[6], (H, H), dtype=jnp.float32) * s
    d['bz'] = jnp.zeros((H,), dtype=jnp.float32)
    d['Wr'] = jax.random.normal(ks[7], (DIN, H), dtype=jnp.float32) * s
    d['Ur'] = jax.random.normal(ks[8], (H, H), dtype=jnp.float32) * s
    d['br'] = jnp.zeros((H,), dtype=jnp.float32)
    d['Wh'] = jax.random.normal(ks[9], (DIN, H), dtype=jnp.float32) * s
    d['Uh'] = jax.random.normal(ks[10], (H, H), dtype=jnp.float32) * s
    d['bh'] = jnp.zeros((H,), dtype=jnp.float32)
    return d

def reference(x, edge_index, Wg, a_src, a_dst, Wz, Uz, bz, Wr, Ur, br, Wh, Uh, bh):
    # Iterative (level-synchronous) rendering of the recursive tree convolution:
    # each level: GraphAttention over child hiddens -> maxpool readout per parent -> GRU(x, agg).
    n = x.shape[0]
    src = edge_index[0]
    dst = edge_index[1]
    h = jnp.zeros((n, Wg.shape[1]), dtype=x.dtype)  # zero_hiddens for leaves
    for _ in range(LEVELS):
        hW = h @ Wg
        # GAT edge attention (child -> parent)
        e = jax.nn.leaky_relu(hW[src] @ a_src + hW[dst] @ a_dst, 0.2)
        emax = jax.ops.segment_max(e, dst, num_segments=n)
        emax = jnp.where(jnp.isfinite(emax), emax, 0.0)
        ex = jnp.exp(e - emax[dst])
        denom = jax.ops.segment_sum(ex, dst, num_segments=n) + 1e-9
        alpha = ex / denom[dst]
        child = jax.nn.elu(alpha[:, None] * hW[src])
        # MaxpoolReadoutLayer over children per parent
        agg = jax.ops.segment_max(child, dst, num_segments=n)
        agg = jnp.where(jnp.isfinite(agg), agg, 0.0)  # nodes with no children -> zero_hiddens
        # GRU cell combining node features with pooled child hiddens
        z = jax.nn.sigmoid(x @ Wz + agg @ Uz + bz)
        r = jax.nn.sigmoid(x @ Wr + agg @ Ur + br)
        htil = jnp.tanh(x @ Wh + (r * agg) @ Uh + bh)
        h = (1.0 - z) * agg + z * htil
    return h

if __name__ == "__main__":
    import jax
    _d = setup_inputs()
    print(jax.jit(kernel)(*tuple(_d.values())))

</pallas_src>

<mosaic_0001>
#map = affine_map<(d0, d1) -> (0)>
module attributes {stable_mosaic.version = 14 : i64} {
  func.func @_sc_bin_body(%arg0: i32, %arg1: i32, %arg2: memref<323584xi32, #tpu.memory_space<hbm>>, %arg3: memref<323584xi32, #tpu.memory_space<hbm>>, %arg4: memref<393216xi32, #tpu.memory_space<hbm>>, %arg5: memref<393216xi32, #tpu.memory_space<hbm>>, %arg6: memref<512xi32, #tpu.memory_space<hbm>>, %arg7: memref<4096xi32, #tpu.memory_space<vmem>>, %arg8: memref<4096xi32, #tpu.memory_space<vmem>>, %arg9: memref<4096xi32, #tpu.memory_space<vmem>>, %arg10: memref<4096xi32, #tpu.memory_space<vmem>>, %arg11: memref<12304xi32, #tpu.memory_space<vmem>>, %arg12: memref<12304xi32, #tpu.memory_space<vmem>>, %arg13: memref<16xi32, #tpu.memory_space<vmem>>, %arg14: memref<!tpu.dma_semaphore, #tpu.memory_space<semaphore_mem>>, %arg15: memref<!tpu.dma_semaphore, #tpu.memory_space<semaphore_mem>>) attributes {dimension_semantics = [#tpu.dimension_semantics<core_parallel>, #tpu.dimension_semantics<subcore_parallel>], iteration_bounds = array<i64: 2, 16>, scalar_prefetch = 0 : i64, scratch_operands = 9 : i64, tpu.core_type = #tpu.core_type<sc_vector_subcore>, window_params = [{transform_indices = #map}, {transform_indices = #map}, {transform_indices = #map}, {transform_indices = #map}, {transform_indices = #map}]} {
    %mul3A = arith.constant 2 : i32
    %mul3A_0 = arith.muli %arg1, %mul3A : i32
    %add3A = arith.addi %mul3A_0, %arg0 : i32
    %mul3A_1 = arith.constant 320 : i32
    %mul3A_2 = arith.muli %add3A, %mul3A_1 : i32
    %scan3A = arith.constant 0 : i32
    %scan3A_3 = arith.constant 0 : i32
    %scan3A_4 = arith.constant 769 : i32
    %scan3A_5 = arith.addi %scan3A_3, %scan3A_4 : i32
    %scan3A_6 = arith.constant 1 : i32
    %scan3A_7 = scf.for %scan3A_43 = %scan3A_3 to %scan3A_5 step %scan3A_6 iter_args(%scan3A_44 = %scan3A) -> (i32)  : i32 {
      %broadcast_in_dim3A_45 = arith.constant 0 : i32
      %broadcast_in_dim3A_46 = vector.broadcast %broadcast_in_dim3A_45 : i32 to vector<16xi32>
      %mul3A_47 = arith.constant 16 : i32
      %mul3A_48 = arith.muli %scan3A_43, %mul3A_47 : i32
      %swap3A_49 = arith.index_cast %mul3A_48 : i32 to index
      %swap3A_50 = tpu.vector_load %arg11[%swap3A_49] {strides = array<i32>} : memref<12304xi32, #tpu.memory_space<vmem>>, vector<16xi32>,
      tpu.vector_store %arg11[%swap3A_49], %broadcast_in_dim3A_46 {strides = array<i32>} : memref<12304xi32, #tpu.memory_space<vmem>>, vector<16xi32>,
      %broadcast_in_dim3A_51 = arith.constant 10240 : i32
      %broadcast_in_dim3A_52 = vector.broadcast %broadcast_in_dim3A_51 : i32 to vector<16xi32>
      %mul3A_53 = arith.constant 16 : i32
      %mul3A_54 = arith.muli %scan3A_43, %mul3A_53 : i32
      %swap3A_55 = arith.index_cast %mul3A_54 : i32 to index
      %swap3A_56 = tpu.vector_load %arg12[%swap3A_55] {strides = array<i32>} : memref<12304xi32, #tpu.memory_space<vmem>>, vector<16xi32>,
      tpu.vector_store %arg12[%swap3A_55], %broadcast_in_dim3A_52 {strides = array<i32>} : memref<12304xi32, #tpu.memory_space<vmem>>, vector<16xi32>,
      %scan3A_57 = arith.constant 0 : i32
      scf.yield %scan3A_57 : i32
    }
    %scan3A_8 = arith.constant 769 : i32
    %dma_start3A = arith.constant 0 : i32
    %dma_start3A_9 = tpu.memref_slice %arg2[%dma_start3A] : memref<323584xi32, #tpu.memory_space<hbm>> -> memref<4096xi32, #tpu.memory_space<hbm>>
    %dma_start3A_10 = arith.constant 0 : i32
    %dma_start3A_11 = tpu.memref_slice %arg2[%dma_start3A_10] : memref<323584xi32, #tpu.memory_space<hbm>> -> memref<4096xi32, #tpu.memory_space<hbm>>
    tpu.enqueue_dma source(%dma_start3A_11 : memref<4096xi32, #tpu.memory_space<hbm>>) target(%arg7 : memref<4096xi32, #tpu.memory_space<vmem>>) target_semaphore(%arg14 : memref<!tpu.dma_semaphore, #tpu.memory_space<semaphore_mem>>)
    %dma_start3A_12 = arith.constant 0 : i32
    %dma_start3A_13 = tpu.memref_slice %arg3[%dma_start3A_12] : memref<323584xi32, #tpu.memory_space<hbm>> -> memref<4096xi32, #tpu.memory_space<hbm>>
    %dma_start3A_14 = arith.constant 0 : i32
    %dma_start3A_15 = tpu.memref_slice %arg3[%dma_start3A_14] : memref<323584xi32, #tpu.memory_space<hbm>> -> memref<4096xi32, #tpu.memory_space<hbm>>
    tpu.enqueue_dma source(%dma_start3A_15 : memref<4096xi32, #tpu.memory_space<hbm>>) target(%arg8 : memref<4096xi32, #tpu.memory_space<vmem>>) target_semaphore(%arg14 : memref<!tpu.dma_semaphore, #tpu.memory_space<semaphore_mem>>)
    %scan3A_16 = arith.constant 0 : i32
    %scan3A_17 = arith.constant 0 : i32
    %scan3A_18 = arith.constant 39 : i32
    %scan3A_19 = arith.addi %scan3A_17, %scan3A_18 : i32
    %scan3A_20 = arith.constant 1 : i32
    %scan3A_21 = scf.for %scan3A_43 = %scan3A_17 to %scan3A_19 step %scan3A_20 iter_args(%scan3A_44 = %scan3A_16) -> (i32)  : i32 {
      %mul3A_45 = arith.constant 2 : i32
      %mul3A_46 = arith.muli %mul3A_45, %scan3A_43 : i32
      %add3A_47 = arith.constant 1 : i32
      %add3A_48 = arith.addi %mul3A_46, %add3A_47 : i32
      %mul3A_49 = arith.constant 4096 : i32
      %mul3A_50 = arith.muli %add3A_48, %mul3A_49 : i32
      %dma_start3A_51 = tpu.memref_slice %arg2[%mul3A_50] : memref<323584xi32, #tpu.memory_space<hbm>> -> memref<4096xi32, #tpu.memory_space<hbm>>
      %dma_start3A_52 = tpu.memref_slice %arg2[%mul3A_50] : memref<323584xi32, #tpu.memory_space<hbm>> -> memref<4096xi32, #tpu.memory_space<hbm>>
      tpu.enqueue_dma source(%dma_start3A_52 : memref<4096xi32, #tpu.memory_space<hbm>>) target(%arg9 : memref<4096xi32, #tpu.memory_space<vmem>>) target_semaphore(%arg15 : memref<!tpu.dma_semaphore, #tpu.memory_space<semaphore_mem>>)
      %mul3A_53 = arith.constant 4096 : i32
      %mul3A_54 = arith.muli %add3A_48, %mul3A_53 : i32
      %dma_start3A_55 = tpu.memref_slice %arg3[%mul3A_54] : memref<323584xi32, #tpu.memory_space<hbm>> -> memref<4096xi32, #tpu.memory_space<hbm>>
      %dma_start3A_56 = tpu.memref_slice %arg3[%mul3A_54] : memref<323584xi32, #tpu.memory_space<hbm>> -> memref<4096xi32, #tpu.memory_space<hbm>>
      tpu.enqueue_dma source(%dma_start3A_56 : memref<4096xi32, #tpu.memory_space<hbm>>) target(%arg10 : memref<4096xi32, #tpu.memory_space<vmem>>) target_semaphore(%arg15 : memref<!tpu.dma_semaphore, #tpu.memory_space<semaphore_mem>>)
      %mul3A_57 = arith.constant 4096 : i32
      %mul3A_58 = arith.muli %mul3A_46, %mul3A_57 : i32
      %dma_wait3A_59 = tpu.memref_slice %arg2[%mul3A_58] : memref<323584xi32, #tpu.memory_space<hbm>> -> memref<4096xi32, #tpu.memory_space<hbm>>
      %dma_wait3A_60 = tpu.memref_slice %arg2[%mul3A_58] : memref<323584xi32, #tpu.memory_space<hbm>> -> memref<4096xi32, #tpu.memory_space<hbm>>
      tpu.wait_dma2 semaphore(%arg14 : memref<!tpu.dma_semaphore, #tpu.memory_space<semaphore_mem>>) src(%dma_wait3A_60 : memref<4096xi32, #tpu.memory_space<hbm>>) dst(%arg7 : memref<4096xi32, #tpu.memory_space<vmem>>)
      %mul3A_61 = arith.constant 4096 : i32
      %mul3A_62 = arith.muli %mul3A_46, %mul3A_61 : i32
      %dma_wait3A_63 = tpu.memref_slice %arg3[%mul3A_62] : memref<323584xi32, #tpu.memory_space<hbm>> -> memref<4096xi32, #tpu.memory_space<hbm>>
      %dma_wait3A_64 = tpu.memref_slice %arg3[%mul3A_62] : memref<323584xi32, #tpu.memory_space<hbm>> -> memref<4096xi32, #tpu.memory_space<hbm>>
      tpu.wait_dma2 semaphore(%arg14 : memref<!tpu.dma_semaphore, #tpu.memory_space<semaphore_mem>>) src(%dma_wait3A_64 : memref<4096xi32, #tpu.memory_space<hbm>>) dst(%arg8 : memref<4096xi32, #tpu.memory_space<vmem>>)
      %scan3A_65 = arith.constant 0 : i32
      %scan3A_66 = arith.constant 256 : i32
      %scan3A_67 = arith.addi %scan3A_65, %scan3A_66 : i32
      %scan3A_68 = arith.constant 1 : i32
      %scan3A_69 = scf.for %scan3A_97 = %scan3A_65 to %scan3A_67 step %scan3A_68 iter_args(%scan3A_98 = %scan3A_44) -> (i32)  : i32 {
        %mul3A_99 = arith.constant 16 : i32
        %mul3A_100 = arith.muli %scan3A_97, %mul3A_99 : i32
        %get3A = arith.index_cast %mul3A_100 : i32 to index
        %get3A_101 = tpu.vector_load %arg8[%get3A] {strides = array<i32>} : memref<4096xi32, #tpu.memory_space<vmem>>, vector<16xi32>,
        %get3A_102 = arith.index_cast %mul3A_100 : i32 to index
        %get3A_103 = tpu.vector_load %arg7[%get3A_102] {strides = array<i32>} : memref<4096xi32, #tpu.memory_space<vmem>>, vector<16xi32>,
        %ge3A = vector.broadcast %mul3A_2 : i32 to vector<16xi32>
        %ge3A_104 = arith.cmpi sge, %get3A_101, %ge3A : vector<16xi32>
        %add3A_105 = arith.constant 320 : i32
        %add3A_106 = arith.addi %mul3A_2, %add3A_105 : i32
        %lt3A = vector.broadcast %add3A_106 : i32 to vector<16xi32>
        %lt3A_107 = arith.cmpi slt, %get3A_101, %lt3A : vector<16xi32>
        %and3A = arith.andi %ge3A_104, %lt3A_107 : vector<16xi1>
        %swap3A_108 = arith.index_cast %scan3A_98 : i32 to index
        %swap3A_109 = tpu.vector_load %arg11[%swap3A_108] masked %and3A {strides = array<i32>} : memref<12304xi32, #tpu.memory_space<vmem>>, vector<16xi32>, vector<16xi1>
        tpu.vector_store %arg11[%swap3A_108], %get3A_103 masked %and3A {strides = array<i32>} : memref<12304xi32, #tpu.memory_space<vmem>>, vector<16xi32>, vector<16xi1>
        %swap3A_110 = arith.index_cast %scan3A_98 : i32 to index
        %swap3A_111 = tpu.vector_load %arg12[%swap3A_110] masked %and3A {strides = array<i32>} : memref<12304xi32, #tpu.memory_space<vmem>>, vector<16xi32>, vector<16xi1>
        tpu.vector_store %arg12[%swap3A_110], %get3A_101 masked %and3A {strides = array<i32>} : memref<12304xi32, #tpu.memory_space<vmem>>, vector<16xi32>, vector<16xi1>
        %all_reduce_population_count3A = tpu.all_reduce %and3A {dim = 0 : i64, kind = #tpu.reduction_kind<sum>} : vector<16xi1> -> vector<16xi32>
        %slice3A = vector.extract_strided_slice %all_reduce_population_count3A {offsets = [0], sizes = [1], strides = [1]} : vector<16xi32> to vector<1xi32>
        %squeeze3A = vector.extract %slice3A[0] : i32 from vector<1xi32>
        %add3A_112 = arith.addi %scan3A_98, %squeeze3A : i32
        scf.yield %add3A_112 : i32
      }
      %scan3A_70 = arith.constant 256 : i32
      %add3A_71 = arith.constant 2 : i32
      %add3A_72 = arith.addi %mul3A_46, %add3A_71 : i32
      %mul3A_73 = arith.constant 4096 : i32
      %mul3A_74 = arith.muli %add3A_72, %mul3A_73 : i32
      %dma_start3A_75 = tpu.memref_slice %arg2[%mul3A_74] : memref<323584xi32, #tpu.memory_space<hbm>> -> memref<4096xi32, #tpu.memory_space<hbm>>
      %dma_start3A_76 = tpu.memref_slice %arg2[%mul3A_74] : memref<323584xi32, #tpu.memory_space<hbm>> -> memref<4096xi32, #tpu.memory_space<hbm>>
      tpu.enqueue_dma source(%dma_start3A_76 : memref<4096xi32, #tpu.memory_space<hbm>>) target(%arg7 : memref<4096xi32, #tpu.memory_space<vmem>>) target_semaphore(%arg14 : memref<!tpu.dma_semaphore, #tpu.memory_space<semaphore_mem>>)
      %mul3A_77 = arith.constant 4096 : i32
      %mul3A_78 = arith.muli %add3A_72, %mul3A_77 : i32
      %dma_start3A_79 = tpu.memref_slice %arg3[%mul3A_78] : memref<323584xi32, #tpu.memory_space<hbm>> -> memref<4096xi32, #tpu.memory_space<hbm>>
      %dma_start3A_80 = tpu.memref_slice %arg3[%mul3A_78] : memref<323584xi32, #tpu.memory_space<hbm>> -> memref<4096xi32, #tpu.memory_space<hbm>>
      tpu.enqueue_dma source(%dma_start3A_80 : memref<4096xi32, #tpu.memory_space<hbm>>) target(%arg8 : memref<4096xi32, #tpu.memory_space<vmem>>) target_semaphore(%arg14 : memref<!tpu.dma_semaphore, #tpu.memory_space<semaphore_mem>>)
      %add3A_81 = arith.constant 1 : i32
      %add3A_82 = arith.addi %mul3A_46, %add3A_81 : i32
      %mul3A_83 = arith.constant 4096 : i32
      %mul3A_84 = arith.muli %add3A_82, %mul3A_83 : i32
      %dma_wait3A_85 = tpu.memref_slice %arg2[%mul3A_84] : memref<323584xi32, #tpu.memory_space<hbm>> -> memref<4096xi32, #tpu.memory_space<hbm>>
      %dma_wait3A_86 = tpu.memref_slice %arg2[%mul3A_84] : memref<323584xi32, #tpu.memory_space<hbm>> -> memref<4096xi32, #tpu.memory_space<hbm>>
      tpu.wait_dma2 semaphore(%arg15 : memref<!tpu.dma_semaphore, #tpu.memory_space<semaphore_mem>>) src(%dma_wait3A_86 : memref<4096xi32, #tpu.memory_space<hbm>>) dst(%arg9 : memref<4096xi32, #tpu.memory_space<vmem>>)
      %mul3A_87 = arith.constant 4096 : i32
      %mul3A_88 = arith.muli %add3A_82, %mul3A_87 : i32
      %dma_wait3A_89 = tpu.memref_slice %arg3[%mul3A_88] : memref<323584xi32, #tpu.memory_space<hbm>> -> memref<4096xi32, #tpu.memory_space<hbm>>
      %dma_wait3A_90 = tpu.memref_slice %arg3[%mul3A_88] : memref<323584xi32, #tpu.memory_space<hbm>> -> memref<4096xi32, #tpu.memory_space<hbm>>
      tpu.wait_dma2 semaphore(%arg15 : memref<!tpu.dma_semaphore, #tpu.memory_space<semaphore_mem>>) src(%dma_wait3A_90 : memref<4096xi32, #tpu.memory_space<hbm>>) dst(%arg10 : memref<4096xi32, #tpu.memory_space<vmem>>)
      %scan3A_91 = arith.constant 0 : i32
      %scan3A_92 = arith.constant 256 : i32
      %scan3A_93 = arith.addi %scan3A_91, %scan3A_92 : i32
      %scan3A_94 = arith.constant 1 : i32
      %scan3A_95 = scf.for %scan3A_97 = %scan3A_91 to %scan3A_93 step %scan3A_94 iter_args(%scan3A_98 = %scan3A_69) -> (i32)  : i32 {
        %mul3A_99 = arith.constant 16 : i32
        %mul3A_100 = arith.muli %scan3A_97, %mul3A_99 : i32
        %get3A = arith.index_cast %mul3A_100 : i32 to index
        %get3A_101 = tpu.vector_load %arg10[%get3A] {strides = array<i32>} : memref<4096xi32, #tpu.memory_space<vmem>>, vector<16xi32>,
        %get3A_102 = arith.index_cast %mul3A_100 : i32 to index
        %get3A_103 = tpu.vector_load %arg9[%get3A_102] {strides = array<i32>} : memref<4096xi32, #tpu.memory_space<vmem>>, vector<16xi32>,
        %ge3A = vector.broadcast %mul3A_2 : i32 to vector<16xi32>
        %ge3A_104 = arith.cmpi sge, %get3A_101, %ge3A : vector<16xi32>
        %add3A_105 = arith.constant 320 : i32
        %add3A_106 = arith.addi %mul3A_2, %add3A_105 : i32
        %lt3A = vector.broadcast %add3A_106 : i32 to vector<16xi32>
        %lt3A_107 = arith.cmpi slt, %get3A_101, %lt3A : vector<16xi32>
        %and3A = arith.andi %ge3A_104, %lt3A_107 : vector<16xi1>
        %swap3A_108 = arith.index_cast %scan3A_98 : i32 to index
        %swap3A_109 = tpu.vector_load %arg11[%swap3A_108] masked %and3A {strides = array<i32>} : memref<12304xi32, #tpu.memory_space<vmem>>, vector<16xi32>, vector<16xi1>
        tpu.vector_store %arg11[%swap3A_108], %get3A_103 masked %and3A {strides = array<i32>} : memref<12304xi32, #tpu.memory_space<vmem>>, vector<16xi32>, vector<16xi1>
        %swap3A_110 = arith.index_cast %scan3A_98 : i32 to index
        %swap3A_111 = tpu.vector_load %arg12[%swap3A_110] masked %and3A {strides = array<i32>} : memref<12304xi32, #tpu.memory_space<vmem>>, vector<16xi32>, vector<16xi1>
        tpu.vector_store %arg12[%swap3A_110], %get3A_101 masked %and3A {strides = array<i32>} : memref<12304xi32, #tpu.memory_space<vmem>>, vector<16xi32>, vector<16xi1>
        %all_reduce_population_count3A = tpu.all_reduce %and3A {dim = 0 : i64, kind = #tpu.reduction_kind<sum>} : vector<16xi1> -> vector<16xi32>
        %slice3A = vector.extract_strided_slice %all_reduce_population_count3A {offsets = [0], sizes = [1], strides = [1]} : vector<16xi32> to vector<1xi32>
        %squeeze3A = vector.extract %slice3A[0] : i32 from vector<1xi32>
        %add3A_112 = arith.addi %scan3A_98, %squeeze3A : i32
        scf.yield %add3A_112 : i32
      }
      %scan3A_96 = arith.constant 256 : i32
      scf.yield %scan3A_95 : i32
    }
    %scan3A_22 = arith.constant 39 : i32
    %dma_wait3A = arith.constant 319488 : i32
    %dma_wait3A_23 = tpu.memref_slice %arg2[%dma_wait3A] : memref<323584xi32, #tpu.memory_space<hbm>> -> memref<4096xi32, #tpu.memory_space<hbm>>
    %dma_wait3A_24 = arith.constant 319488 : i32
    %dma_wait3A_25 = tpu.memref_slice %arg2[%dma_wait3A_24] : memref<323584xi32, #tpu.memory_space<hbm>> -> memref<4096xi32, #tpu.memory_space<hbm>>
    tpu.wait_dma2 semaphore(%arg14 : memref<!tpu.dma_semaphore, #tpu.memory_space<semaphore_mem>>) src(%dma_wait3A_25 : memref<4096xi32, #tpu.memory_space<hbm>>) dst(%arg7 : memref<4096xi32, #tpu.memory_space<vmem>>)
    %dma_wait3A_26 = arith.constant 319488 : i32
    %dma_wait3A_27 = tpu.memref_slice %arg3[%dma_wait3A_26] : memref<323584xi32, #tpu.memory_space<hbm>> -> memref<4096xi32, #tpu.memory_space<hbm>>
    %dma_wait3A_28 = arith.constant 319488 : i32
    %dma_wait3A_29 = tpu.memref_slice %arg3[%dma_wait3A_28] : memref<323584xi32, #tpu.memory_space<hbm>> -> memref<4096xi32, #tpu.memory_space<hbm>>
    tpu.wait_dma2 semaphore(%arg14 : memref<!tpu.dma_semaphore, #tpu.memory_space<semaphore_mem>>) src(%dma_wait3A_29 : memref<4096xi32, #tpu.memory_space<hbm>>) dst(%arg8 : memref<4096xi32, #tpu.memory_space<vmem>>)
    %scan3A_30 = arith.constant 0 : i32
    %scan3A_31 = arith.constant 256 : i32
    %scan3A_32 = arith.addi %scan3A_30, %scan3A_31 : i32
    %scan3A_33 = arith.constant 1 : i32
    %scan3A_34 = scf.for %scan3A_43 = %scan3A_30 to %scan3A_32 step %scan3A_33 iter_args(%scan3A_44 = %scan3A_21) -> (i32)  : i32 {
      %mul3A_45 = arith.constant 16 : i32
      %mul3A_46 = arith.muli %scan3A_43, %mul3A_45 : i32
      %get3A = arith.index_cast %mul3A_46 : i32 to index
      %get3A_47 = tpu.vector_load %arg8[%get3A] {strides = array<i32>} : memref<4096xi32, #tpu.memory_space<vmem>>, vector<16xi32>,
      %get3A_48 = arith.index_cast %mul3A_46 : i32 to index
      %get3A_49 = tpu.vector_load %arg7[%get3A_48] {strides = array<i32>} : memref<4096xi32, #tpu.memory_space<vmem>>, vector<16xi32>,
      %ge3A = vector.broadcast %mul3A_2 : i32 to vector<16xi32>
      %ge3A_50 = arith.cmpi sge, %get3A_47, %ge3A : vector<16xi32>
      %add3A_51 = arith.constant 320 : i32
      %add3A_52 = arith.addi %mul3A_2, %add3A_51 : i32
      %lt3A = vector.broadcast %add3A_52 : i32 to vector<16xi32>
      %lt3A_53 = arith.cmpi slt, %get3A_47, %lt3A : vector<16xi32>
      %and3A = arith.andi %ge3A_50, %lt3A_53 : vector<16xi1>
      %swap3A_54 = arith.index_cast %scan3A_44 : i32 to index
      %swap3A_55 = tpu.vector_load %arg11[%swap3A_54] masked %and3A {strides = array<i32>} : memref<12304xi32, #tpu.memory_space<vmem>>, vector<16xi32>, vector<16xi1>
      tpu.vector_store %arg11[%swap3A_54], %get3A_49 masked %and3A {strides = array<i32>} : memref<12304xi32, #tpu.memory_space<vmem>>, vector<16xi32>, vector<16xi1>
      %swap3A_56 = arith.index_cast %scan3A_44 : i32 to index
      %swap3A_57 = tpu.vector_load %arg12[%swap3A_56] masked %and3A {strides = array<i32>} : memref<12304xi32, #tpu.memory_space<vmem>>, vector<16xi32>, vector<16xi1>
      tpu.vector_store %arg12[%swap3A_56], %get3A_47 masked %and3A {strides = array<i32>} : memref<12304xi32, #tpu.memory_space<vmem>>, vector<16xi32>, vector<16xi1>
      %all_reduce_population_count3A = tpu.all_reduce %and3A {dim = 0 : i64, kind = #tpu.reduction_kind<sum>} : vector<16xi1> -> vector<16xi32>
      %slice3A = vector.extract_strided_slice %all_reduce_population_count3A {offsets = [0], sizes = [1], strides = [1]} : vector<16xi32> to vector<1xi32>
      %squeeze3A = vector.extract %slice3A[0] : i32 from vector<1xi32>
      %add3A_58 = arith.addi %scan3A_44, %squeeze3A : i32
      scf.yield %add3A_58 : i32
    }
    %scan3A_35 = arith.constant 256 : i32
    %broadcast_in_dim3A = vector.broadcast %scan3A_34 : i32 to vector<16xi32>
    %swap3A = arith.constant 0 : index
    %swap3A_36 = tpu.vector_load %arg13[%swap3A] {strides = array<i32>} : memref<16xi32, #tpu.memory_space<vmem>>, vector<16xi32>,
    tpu.vector_store %arg13[%swap3A], %broadcast_in_dim3A {strides = array<i32>} : memref<16xi32, #tpu.memory_space<vmem>>, vector<16xi32>,
    %mul3A_37 = arith.constant 16 : i32
    %mul3A_38 = arith.muli %add3A, %mul3A_37 : i32
    "tpu.region"() ({
      %run_scoped3A = tpu.sem_alloc : memref<!tpu.dma_semaphore, #tpu.memory_space<semaphore_mem>>
      %dma_start3A_43 = tpu.memref_slice %arg6[%mul3A_38] : memref<512xi32, #tpu.memory_space<hbm>> -> memref<16xi32, #tpu.memory_space<hbm>>
      %dma_start3A_44 = tpu.memref_slice %arg6[%mul3A_38] : memref<512xi32, #tpu.memory_space<hbm>> -> memref<16xi32, #tpu.memory_space<hbm>>
      tpu.enqueue_dma source(%arg13 : memref<16xi32, #tpu.memory_space<vmem>>) target(%dma_start3A_44 : memref<16xi32, #tpu.memory_space<hbm>>) target_semaphore(%run_scoped3A : memref<!tpu.dma_semaphore, #tpu.memory_space<semaphore_mem>>)
      %dma_wait3A_45 = tpu.memref_slice %arg6[%mul3A_38] : memref<512xi32, #tpu.memory_space<hbm>> -> memref<16xi32, #tpu.memory_space<hbm>>
      %dma_wait3A_46 = tpu.memref_slice %arg6[%mul3A_38] : memref<512xi32, #tpu.memory_space<hbm>> -> memref<16xi32, #tpu.memory_space<hbm>>
      tpu.wait_dma2 semaphore(%run_scoped3A : memref<!tpu.dma_semaphore, #tpu.memory_space<semaphore_mem>>) src(%arg13 : memref<16xi32, #tpu.memory_space<vmem>>) dst(%dma_wait3A_46 : memref<16xi32, #tpu.memory_space<hbm>>)
      tpu.yield
    }) : () -> ()
    %mul3A_39 = arith.constant 12288 : i32
    %mul3A_40 = arith.muli %add3A, %mul3A_39 : i32
    "tpu.region"() ({
      %run_scoped3A = tpu.sem_alloc : memref<!tpu.dma_semaphore, #tpu.memory_space<semaphore_mem>>
      %dma_start3A_43 = arith.constant 0 : i32
      %dma_start3A_44 = tpu.memref_slice %arg11[%dma_start3A_43] : memref<12304xi32, #tpu.memory_space<vmem>> -> memref<12288xi32, #tpu.memory_space<vmem>>
      %dma_start3A_45 = tpu.memref_slice %arg4[%mul3A_40] : memref<393216xi32, #tpu.memory_space<hbm>> -> memref<12288xi32, #tpu.memory_space<hbm>>
      %dma_start3A_46 = tpu.memref_slice %arg4[%mul3A_40] : memref<393216xi32, #tpu.memory_space<hbm>> -> memref<12288xi32, #tpu.memory_space<hbm>>
      %dma_start3A_47 = arith.constant 0 : i32
      %dma_start3A_48 = tpu.memref_slice %arg11[%dma_start3A_47] : memref<12304xi32, #tpu.memory_space<vmem>> -> memref<12288xi32, #tpu.memory_space<vmem>>
      tpu.enqueue_dma source(%dma_start3A_48 : memref<12288xi32, #tpu.memory_space<vmem>>) target(%dma_start3A_46 : memref<12288xi32, #tpu.memory_space<hbm>>) target_semaphore(%run_scoped3A : memref<!tpu.dma_semaphore, #tpu.memory_space<semaphore_mem>>)
      %dma_wait3A_49 = arith.constant 0 : i32
      %dma_wait3A_50 = tpu.memref_slice %arg11[%dma_wait3A_49] : memref<12304xi32, #tpu.memory_space<vmem>> -> memref<12288xi32, #tpu.memory_space<vmem>>
      %dma_wait3A_51 = tpu.memref_slice %arg4[%mul3A_40] : memref<393216xi32, #tpu.memory_space<hbm>> -> memref<12288xi32, #tpu.memory_space<hbm>>
      %dma_wait3A_52 = tpu.memref_slice %arg4[%mul3A_40] : memref<393216xi32, #tpu.memory_space<hbm>> -> memref<12288xi32, #tpu.memory_space<hbm>>
      %dma_wait3A_53 = arith.constant 0 : i32
      %dma_wait3A_54 = tpu.memref_slice %arg11[%dma_wait3A_53] : memref<12304xi32, #tpu.memory_space<vmem>> -> memref<12288xi32, #tpu.memory_space<vmem>>
      tpu.wait_dma2 semaphore(%run_scoped3A : memref<!tpu.dma_semaphore, #tpu.memory_space<semaphore_mem>>) src(%dma_wait3A_54 : memref<12288xi32, #tpu.memory_space<vmem>>) dst(%dma_wait3A_52 : memref<12288xi32, #tpu.memory_space<hbm>>)
      tpu.yield
    }) : () -> ()
    %mul3A_41 = arith.constant 12288 : i32
    %mul3A_42 = arith.muli %add3A, %mul3A_41 : i32
    "tpu.region"() ({
      %run_scoped3A = tpu.sem_alloc : memref<!tpu.dma_semaphore, #tpu.memory_space<semaphore_mem>>
      %dma_start3A_43 = arith.constant 0 : i32
      %dma_start3A_44 = tpu.memref_slice %arg12[%dma_start3A_43] : memref<12304xi32, #tpu.memory_space<vmem>> -> memref<12288xi32, #tpu.memory_space<vmem>>
      %dma_start3A_45 = tpu.memref_slice %arg5[%mul3A_42] : memref<393216xi32, #tpu.memory_space<hbm>> -> memref<12288xi32, #tpu.memory_space<hbm>>
      %dma_start3A_46 = tpu.memref_slice %arg5[%mul3A_42] : memref<393216xi32, #tpu.memory_space<hbm>> -> memref<12288xi32, #tpu.memory_space<hbm>>
      %dma_start3A_47 = arith.constant 0 : i32
      %dma_start3A_48 = tpu.memref_slice %arg12[%dma_start3A_47] : memref<12304xi32, #tpu.memory_space<vmem>> -> memref<12288xi32, #tpu.memory_space<vmem>>
      tpu.enqueue_dma source(%dma_start3A_48 : memref<12288xi32, #tpu.memory_space<vmem>>) target(%dma_start3A_46 : memref<12288xi32, #tpu.memory_space<hbm>>) target_semaphore(%run_scoped3A : memref<!tpu.dma_semaphore, #tpu.memory_space<semaphore_mem>>)
      %dma_wait3A_49 = arith.constant 0 : i32
      %dma_wait3A_50 = tpu.memref_slice %arg12[%dma_wait3A_49] : memref<12304xi32, #tpu.memory_space<vmem>> -> memref<12288xi32, #tpu.memory_space<vmem>>
      %dma_wait3A_51 = tpu.memref_slice %arg5[%mul3A_42] : memref<393216xi32, #tpu.memory_space<hbm>> -> memref<12288xi32, #tpu.memory_space<hbm>>
      %dma_wait3A_52 = tpu.memref_slice %arg5[%mul3A_42] : memref<393216xi32, #tpu.memory_space<hbm>> -> memref<12288xi32, #tpu.memory_space<hbm>>
      %dma_wait3A_53 = arith.constant 0 : i32
      %dma_wait3A_54 = tpu.memref_slice %arg12[%dma_wait3A_53] : memref<12304xi32, #tpu.memory_space<vmem>> -> memref<12288xi32, #tpu.memory_space<vmem>>
      tpu.wait_dma2 semaphore(%run_scoped3A : memref<!tpu.dma_semaphore, #tpu.memory_space<semaphore_mem>>) src(%dma_wait3A_54 : memref<12288xi32, #tpu.memory_space<vmem>>) dst(%dma_wait3A_52 : memref<12288xi32, #tpu.memory_space<hbm>>)
      tpu.yield
    }) : () -> ()
    return
  }
}

</mosaic_0001>

<sc_bundles>
// kernel: _sc_bin.3.cloned.1.call-start
scs
__scs_entry_jumppad:
0x0: {  	(pc) =	sbr.rel $0x88, $3  }
0x1: {  	(tag) =	ssettag $0x0;
	lr =	simm.s32 $0x1  }
0x2: {  	[smem:$0x3F9F] =	sst lr;
	_ =	strace $0xD0000000  }
0x3: {  	_ = 	snop  }
0x4: {  	_ = 	snop  }
0x5: {  	_ = 	snop  }
0x6: {  	_ = 	snop  }
0x7: {  	_ = 	snop  }
__scs_overlays_trampoline_lowered:
0x8: {  	[smem:$0x3FAE] =	sst s0  }
0x9: {  	[smem:$0x3FAF] =	sst s1  }
0xa: {  	[smem:$0x3FB0] =	sst s2  }
0xb: {  	[smem:$0x3FB1] =	sst s3  }
0xc: {  	[smem:$0x3FB2] =	sst s4  }
0xd: {  	[smem:$0x3FB3] =	sst s5  }
0xe: {  	[smem:$0x3FB4] =	sst s6  }
0xf: {  	[smem:$0x3FB5] =	sst s7  }
0x10: {  	[smem:$0x3FB6] =	sst s8  }
0x11: {  	[smem:$0x3FB7] =	sst s9;
	s0 =	simm.s32 @!p0 $0x0  }
0x12: {  	s1 =	sld [smem:$0x3F9D];
	s0 =	simm.s32 @p0 $0x1  }
0x13: {  	[smem:$0x3FB8] =	sst s0;
	s0 =	simm.s32 @!p1 $0x0  }
0x14: {  	s2 =	sld [smem:$0x3F9C];
	s0 =	simm.s32 @p1 $0x1  }
0x15: {  	[smem:$0x3FB9] =	sst s0;
	s0 =	simm.s32 @!p2 $0x0  }
0x16: {  	s3 =	sld [smem:$0x3FDB];
	s0 =	simm.s32 @p2 $0x1  }
0x17: {  	s4 =	simm.s32 $0x1BF5;
	[smem:$0x3FBB] =	sst s0  }
0x18: {  	s0 =	sld [smem:$0x3F9E];
	_ =	swait.ge [sflag:s4], $0x0  }
0x19: {  	s7 =	sld [smem:$0x3F9F]  }
0x1a: {  	s8 =	sadd.s32 $0xFFFFE003, lr  }
0x1b: {  	s9 =	sadd.s32 $0xFFFFFEF7, lr;
	s5 =	simm.s32 $0xFFFFFFFF;
	p2 =	slt.u32 s8, $0xFFFFF086  }
0x1c: {  	p1 =	slt.u32 s9, $0xF7A;
	s5 =	simm.s32 @!p2 $0x0  }
0x1d: {  	s5 =	simm.s32 @p1 $0x1;
	p0 =	seq.s32 s7, s2  }
0x1e: {  	s7 =	smul.u32 @!p0 $0xF7A, s2;
	p2 =	seq.s32 @!p0 s5, $0x0  }
0x1f: {  	s9 =	smul.u32 $0xF7A, s1;
	s8 =	simm.s32 @!p0 $0x1BF5;
	p2 =	por !p2, p0  }
0x20: {  	[sflag:s8] =	ssyncset.s32 @!p0 $0xFFFFF086;
	s6 =	sadd.s32 @!p0 s3, s7;
	s7 =	simm.s32 @!p0 $0x108  }
0x21: {  	s3 =	sadd.s32 s3, s9;
	s6 =	sadd.s32 @!p0 $0x88, s6;
	s7 =	simm.s32 @p2 $0x1082  }
0x22: {  	[simem:s7], [sflag:s8] =	dma.local @!p0 [hbm:s6], $0xF7A  }
0x23: {  	s9 =	sor.u32 $0xD0000000, s2;
	s6 =	simm.s32 $0x108;
	_ =	swait.ge @!p0 [sflag:s8], $0x0  }
0x24: {  	s3 =	sadd.s32 $0x88, s3;
	s6 =	simm.s32 @!p1 $0x1082;
	[sflag:s4] =	ssyncset.s32 $0xFFFFF086  }
0x25: {  	[simem:s6], [sflag:s4] =	dma.local [hbm:s3], $0xF7A  }
0x26: {  	[smem:$0x3F9F] =	sst s1;
	(tag) =	ssettag s2;
	_ =	strace s9  }
0x27: {  	s1 =	sld [smem:$0x3FAF]  }
0x28: {  	s2 =	sld [smem:$0x3FB0]  }
0x29: {  	s4 =	sld [smem:$0x3FB2]  }
0x2a: {  	p0 =	seq.s32 s5, $0x0;
	s5 =	sld [smem:$0x3FB3]  }
0x2b: {  	s6 =	sld [smem:$0x3FB4]  }
0x2c: {  	s7 =	sld [smem:$0x3FB5]  }
0x2d: {  	s3 =	simm.s32 $0x108;
	s8 =	sld [smem:$0x3FB6]  }
0x2e: {  	s3 =	simm.s32 @!p0 $0x1082;
	s9 =	sld [smem:$0x3FB7]  }
0x2f: {  	lr =	sadd.s32 s0, s3;
	s0 =	sld [smem:$0x3FAE]  }
0x30: {  	s3 =	sld [smem:$0x3FB1]  }
0x31: {  	[smem:$0x3FBA] =	sst s10  }
0x32: {  	s10 =	sld [smem:$0x3FB8];
	_ =	sdelay $0x3  }
0x33: {  	p0 =	seq.s32 s10, $0x1;
	s10 =	sld [smem:$0x3FBA];
	_ =	sdelay $0x3  }
0x34: {  	[smem:$0x3FBA] =	sst s10  }
0x35: {  	s10 =	sld [smem:$0x3FB9];
	_ =	sdelay $0x3  }
0x36: {  	p1 =	seq.s32 s10, $0x1;
	s10 =	sld [smem:$0x3FBA];
	_ =	sdelay $0x3  }
0x37: {  	[smem:$0x3FBA] =	sst s10  }
0x38: {  	s10 =	sld [smem:$0x3FBB]  }
0x39: {  	_ = 	snop;
	(pc) =	sbr.ind lr, $3  }
0x3a: {  	_ = 	snop  }
0x3b: {  	_ = 	snop  }
0x3c: {  	p2 =	seq.s32 s10, $0x1;
	s10 =	sld [smem:$0x3FBA]  }
0x3d: {  	_ =	shalt  }
0x3e: {  	_ =	shalt  }
0x3f: {  	_ =	shalt  }
0x40: {  	_ =	shalt  }
0x41: {  	_ =	shalt  }
0x42: {  	_ =	shalt  }
0x43: {  	_ =	shalt  }
0x44: {  	_ =	shalt  }
0x45: {  	_ =	shalt  }
0x46: {  	_ =	shalt  }
0x47: {  	_ =	shalt  }
0x48: {  	_ =	shalt  }
0x49: {  	_ =	shalt  }
0x4a: {  	_ =	shalt  }
0x4b: {  	_ =	shalt  }
0x4c: {  	_ =	shalt  }
0x4d: {  	_ =	shalt  }
0x4e: {  	_ =	shalt  }
0x4f: {  	_ =	shalt  }
0x50: {  	_ =	shalt  }
0x51: {  	_ =	shalt  }
0x52: {  	_ =	shalt  }
0x53: {  	_ =	shalt  }
0x54: {  	_ =	shalt  }
0x55: {  	_ =	shalt  }
0x56: {  	_ =	shalt  }
0x57: {  	_ =	shalt  }
0x58: {  	_ =	shalt  }
0x59: {  	_ =	shalt  }
0x5a: {  	_ =	shalt  }
0x5b: {  	_ =	shalt  }
0x5c: {  	_ =	shalt  }
0x5d: {  	_ =	shalt  }
0x5e: {  	_ =	shalt  }
0x5f: {  	_ =	shalt  }
0x60: {  	_ =	shalt  }
0x61: {  	_ =	shalt  }
0x62: {  	_ =	shalt  }
0x63: {  	_ =	shalt  }
0x64: {  	_ =	shalt  }
0x65: {  	_ =	shalt  }
0x66: {  	_ =	shalt  }
0x67: {  	_ =	shalt  }
0x68: {  	_ =	shalt  }
0x69: {  	_ =	shalt  }
0x6a: {  	_ =	shalt  }
0x6b: {  	_ =	shalt  }
0x6c: {  	_ =	shalt  }
0x6d: {  	_ =	shalt  }
0x6e: {  	_ =	shalt  }
0x6f: {  	_ =	shalt  }
0x70: {  	_ =	shalt  }
0x71: {  	_ =	shalt  }
0x72: {  	_ =	shalt  }
0x73: {  	_ =	shalt  }
0x74: {  	_ =	shalt  }
0x75: {  	_ =	shalt  }
0x76: {  	_ =	shalt  }
0x77: {  	_ =	shalt  }
0x78: {  	_ =	shalt  }
0x79: {  	_ =	shalt  }
0x7a: {  	_ =	shalt  }
0x7b: {  	_ =	shalt  }
0x7c: {  	_ =	shalt  }
0x7d: {  	_ =	shalt  }
0x7e: {  	_ =	shalt  }
0x7f: {  	_ =	shalt  }
0x80: {  	_ =	shalt  }
0x81: {  	_ =	shalt  }
0x82: {  	_ =	shalt  }
0x83: {  	_ =	shalt  }
0x84: {  	_ =	shalt  }
0x85: {  	_ =	shalt  }
0x86: {  	_ =	shalt  }
0x87: {  	_ =	shalt  }
.Lfunc_end0:
.L_simem_size_0:
called_computation_lowered:
.L_overlay_start_0:
0x88: {  	s2 =	sld [smem:$0x3FD9]  }
0x89: {  	s3 =	sld [smem:$0x3FFE];
	_ =	sdelay $0x1  }
0x8a: {  	s1 =	srdreg.scid  }
0x8b: {  	s0 =	sand.u32 $0x1, s1  }
0x8c: {  	s15 =	sshll.u32 s0, $0xA;
	s2 =	sadd.s32 s3, s2  }
0x8d: {  	s2 =	sadd.s32 s2, s15  }
0x8e: {  	[smem:$0x3FC6] =	sst s2  }
0x8f: {  	_ = 	snop  }
0x90: {  	s2 =	sld [smem:$0x3FD0];
	_ =	sdelay $0x1  }
0x91: {  	s16 =	sld [smem:$0x3FC9]  }
0x92: {  	s5 =	simm.s32 $0xA;
	s6 =	simm.s32 $0x10;
	s4 =	sld [smem:$0x3FC8]  }
0x93: {  	[smem:s6], [sflag:s5] =	dma.local [hbm:s2], $0x1  }
0x94: {  	_ =	swait.eq [sflag:s5], $0x1  }
0x95: {  	s17 =	sld [smem:$0x10];
	[sflag:s5] =	ssyncset.done $0x0  }
0x96: {  	s18 =	sld [smem:$0x11];
	[sflag:s5] =	ssyncadd.s32 $0xFFFFFFFF  }
0x97: {  	s19 =	sld [smem:$0x12];
	(tm) =	ssettm $0x1  }
0x98: {  	s7 =	sld [smem:$0x3FFB];
	_ =	sdelay $0x3  }
0x99: {  	_ =	strace s7  }
0x9a: {  	s7 =	sld [smem:$0x3FFC];
	_ =	sdelay $0x3  }
0x9b: {  	_ =	strace s7  }
0x9c: {  	s7 =	sld [smem:$0x3FFD];
	_ =	sdelay $0x3  }
0x9d: {  	_ =	strace s7  }
0x9e: {  	_ =	strace $0x8FFFFFFF  }
0x9f: {  	s20 =	sld [smem:$0x3FDB];
	_ =	sdelay $0x1  }
0xa0: {  	s8 =	simm.s32 $_scs_section_size  }
0xa1: {  	s9 =	simm.s32 $_size__tile_overlayer_lowered;
	s10 =	simm.s32 $_tile_overlayer_lowered  }
0xa2: {  	s23 =	simm.s32 $0x1BFF;
	s22 =	sshll.u32 s10, $0x1;
	s7 =	sadd.s32 s8, s20  }
0xa3: {  	s11 =	simm.s32 $0x0;
	s21 =	sshll.u32 s9, $0x1;
	s9 =	sadd.s32 s22, s7  }
0xa4: {  	[timem:s11], [sflag:s23] =	dma.local [hbm:s9], s21  }
0xa5: {  	_ =	swait.ge [sflag:s23], s21  }
0xa6: {  	s8 =	ssub.s32 $0x0, s21;
	[sflag:s23] =	ssyncset.done $0x0  }
0xa7: {  	[sflag:s23] =	ssyncadd.s32 s8;
	_ =	sdelay $0x1  }
0xa8: {  	s24 =	simm.s32 $0x1B8B  }
0xa9: {  	_ =	swait.ge [sflag:s24], $0x1  }
0xaa: {  	[sflag:s24] =	ssyncset.done $0x0  }
0xab: {  	s25 =	simm.s32 $0x1B8E;
	[sflag:s24] =	ssyncadd.s32 $0xFFFFFFFF  }
0xac: {  	s26 =	simm.s32 $execute0_lowered;
	[smem:$0x3FD2] =	sst s25  }
0xad: {  	s8 =	sshll.u32 s26, $0x1;
	_ =	strace $0x80000046;
	[dreg:$0x1] =	wrdreg $0xFFFFFFFF  }
0xae: {  	s28 =	simm.s32 $_size_execute0_lowered;
	s7 =	sadd.s32 s7, s8;
	[dreg:$0x0] =	wrdreg $0x0  }
0xaf: {  	s8 =	sshll.u32 s28, $0x1;
	[dreg:$0x2] =	wrdreg s7  }
0xb0: {  	[dreg:$0x3] =	wrdreg s8  }
0xb1: {  	[dreg:$0x4] =	wrdreg $0xC0  }
0xb2: {  	_ =	task [dreg:s11], $0x5FFFF  }
0xb3: {  	[dreg:$0x1] =	wrdreg $0xFFFFFFFF  }
0xb4: {  	[dreg:$0x0] =	wrdreg $0x60  }
0xb5: {  	[dreg:$0x2] =	wrdreg s16  }
0xb6: {  	[dreg:$0x3] =	wrdreg s4  }
0xb7: {  	[dreg:$0x4] =	wrdreg s17  }
0xb8: {  	[dreg:$0x5] =	wrdreg s18  }
0xb9: {  	[dreg:$0x6] =	wrdreg s19  }
0xba: {  	[dreg:$0x7] =	wrdreg $0x9  }
0xbb: {  	_ =	task.clear_ibuf [dreg:s11], $0x8FFFF;
	_ =	strace $0x90000046  }
0xbc: {  	s29 =	simm.s32 $0x9;
	_ =	strace $0x80000048  }
0xbd: {  	_ =	swait.ge [sflag:s29], $0x1  }
0xbe: {  	[sflag:s29] =	ssyncadd.s32 $0xFFFFFFFF  }
0xbf: {  	_ =	strace $0x90000048  }
0xc0: {  	_ =	sfence  }
0xc1: {  	s30 =	sld [smem:$0x0];
	_ =	sdelay $0x2  }
0xc2: {  	s31 =	sshll.u32 s1, $0xD;
	s1 =	sshrl.u32 s1, $0x2  }
0xc3: {  	s3 =	sand.u32 $0x4000, s31;
	s1 =	sadd.s32 s1, s30  }
0xc4: {  	s0 =	sor.u32 s3, s0;
	s1 =	sshll.u32 s1, $0x11  }
0xc5: {  	s0 =	sor.u32 s1, s0  }
0xc6: {  	s0 =	sadd.s32 $0x8F2B, s0  }
0xc7: {  	[sflag:s0] =	ssyncadd.remote.s32 $0x1  }
0xc8: {  	_ =	sfence.sel $0xFFFF  }
0xc9: {  	[dreg:$0x0] =	wrdreg $0xFFFFFFFF;
	(pc) =	sbr.abs _section_cstart, $3  }
0xca: {  	[dreg:$0x1] =	wrdreg $0xFFFFFFFF  }
0xcb: {  	_ =	task.clear_ibuf [dreg:s11], $0x2FFFF;
	_ =	strace $0x9FFFFFFF  }
0xcc: {  	(tm) =	ssettm $0x7FFFFFFF  }
0xcd: {  	_ =	shalt  }
tec
execute0_lowered:
.L_overlay_start_1:
0x0: {  	(tag) =	ssettag $0x1  }
0x1: {  	s0 =	rddreg [dreg:$0x0]  }
0x2: {  	s2 =	rddreg [dreg:$0x1]  }
0x3: {  	s6 =	rddreg [dreg:$0x2]  }
0x4: {  	s7 =	rddreg [dreg:$0x3];
	s3 =	srdreg.scid  }
0x5: {  	s1 =	stileid.u32;
	s5 =	rddreg [dreg:$0x4];
	s12 =	simm.s32 $0x1  }
0x6: {  	s14 =	simm.s32 $0xA100;
	s15 =	simm.s32 $0x3;
	s17 =	simm.s32 $0x7080  }
0x7: {  	s18 =	simm.s32 $0x0;
	s8 =	sand.u32 $0x1, s3;
	s4 =	sshll.u32 s1, $0x1  }
0x8: {  	s3 =	rddreg [dreg:$0x5];
	s9 =	sor.u32 s8, s4;
	s4 =	simm.s32 $0x0  }
0x9: {  	s8 =	ssub.s32 $0x2, s8;
	s13 =	smul.u32 $0x140, s9;
	[smem:$0x7FF] =	sst s4  }
0xa: {  	s10 =	sshrl.u32 s8, $0x1;
	s11 =	smul.u32 $0x600, s9;
	s9 =	sshll.u32 s9, $0x1  }
0xb: {  	_ =	strace $0x80000047;
	s8 =	ssub.s32 s8, s10;
	s5 =	sadd.s32 s5, s9  }
0xc: {  	s9 =	simm.s32 $0x1000;
	s10 =	simm.s32 $0x2000;
	s16 =	sadd.s32 $0x140, s13  }
0xd: {  	v2 =	vimm.s32 $0x0;
	s6 =	sadd.s32 s6, s11;
	s7 =	sadd.s32 s7, s11;
	s8 =	smax.u32 s8, $0x1  }
0xe: {  	v3 =	vimm.s32 $0x2800;
	s11 =	simm.s32 $0x3000;
	v0 =	vmov s13;
	s13 =	simm.s32 $0x2;
	v1 =	vmov s16;
	s16 =	simm.s32 $0x4000  }
.LBB2_1:
0xf: {  	s19 =	simm.s32 $0x40;
	s20 =	simm.s32 $0x0  }
.LBB2_2:
0x10: {  	p0 =	sne.s32 s19, $0xC000;
	[tilespmem:s20+$0x4000] =	vst v2;
	s21 =	smov.u32 s19;
	s19 =	sadd.s32 $0x40, s19  }
.Ltmp0:
0x11: {  	[tilespmem:s20+$0x7080] =	vst v3;
	(pc) =	sbr.rel @p0 .LBB2_2-.Ltmp0, $2  }
0x12: {  	_ =	sdelay $0x2  }
0x13: {  	s20 =	sshra.s32 s21, $0x2  }
0x14: {  	[tilespmem:s20+$0x4000] =	vst v2  }
0x15: {  	[tilespmem:s20+$0x7080] =	vst v3;
	s19 =	simm.s32 $0x0  }
0x16: {  	[tilespmem:s19], [sflag:$0x1] =	stream.linear.gather [hbm4b:s0+s19], $0x1000, $0x38;
	[tilespmem:$0xA180] =	vst v63  }
0x17: {  	s21 =	simm.s32 $0x0;
	s20 =	simm.s32 $0x0  }
0x18: {  	[tilespmem:s9], [sflag:$0x1] =	stream.linear.gather [hbm4b:s2+s19], $0x1000, $0x38;
	[tilespmem:$0xA180] =	vst v63  }
.LBB2_4:
0x19: {  	s22 =	sshll.u32 s20, $0xA  }
0x1a: {  	s23 =	sor.u32 $0x200, s22  }
0x1b: {  	s24 =	sadd.s32 s0, s23  }
0x1c: {  	[tilespmem:s10], [sflag:$0x2] =	stream.linear.gather [hbm4b:s24+s19], $0x1000, $0x38;
	[tilespmem:$0xA180] =	vst v63  }
0x1d: {  	s23 =	sadd.s32 s2, s23  }
0x1e: {  	[tilespmem:s11], [sflag:$0x2] =	stream.linear.gather [hbm4b:s23+s19], $0x1000, $0x38;
	[tilespmem:$0xA180] =	vst v63  }
0x1f: {  	_ =	swait.ge [sflag:s12], $0x1000  }
0x20: {  	[sflag:s12] =	ssyncset.done $0x0  }
0x21: {  	[sflag:s12] =	ssyncadd.s32 $0xFFFFF000  }
0x22: {  	_ =	swait.ge [sflag:s12], $0x1000  }
0x23: {  	[sflag:s12] =	ssyncset.done $0x0  }
0x24: {  	s31 =	simm.s32 $0x0;
	[sflag:s12] =	ssyncadd.s32 $0xFFFFF000  }
0x25: {  	v4 =	vld [tilespmem:s31+$0x1000];
	_ =	sdelay $0x4  }
0x26: {  	vm0 =	vge.s32 v4, v0;
	vm1 =	vlt.s32 v4, v1  }
0x27: {  	vm0 =	vmand vm0, vm1  }
0x28: {  	v6 =	vmpcnt.ones.xlane vm0;
	_ =	sdelay $0x1  }
0x29: {  	v5 =	vld [tilespmem:s31+$0x0];
	(v2sf) =	vpush v6, $0x0;
	_ =	sdelay $0x4  }
0x2a: {  	[tilespmem:s21+$0x4000] =	vst.msk vm0, v5  }
0x2b: {  	s24 =	simm.s32 $0x10;
	s23 =	simm.s32 $0x80;
	[tilespmem:s21+$0x7080] =	vst.msk vm0, v4  }
.LBB2_5:
0x2c: {  	p0 =	sne.s32 s23, $0x3FC0;
	v4 =	vld [tilespmem:s24+$0x1000];
	_ =	sdelay $0x4  }
0x2d: {  	v5 =	vld [tilespmem:s24+$0x0];
	vm0 =	vge.s32 v4, v0;
	vm1 =	vlt.s32 v4, v1  }
0x2e: {  	vm0 =	vmand vm0, vm1  }
0x2f: {  	v6 =	vmpcnt.ones.xlane vm0  }
0x30: {  	s24 =	spop (v2sf)  }
0x31: {  	(v2sf) =	vpush v6, $0x0;
	s21 =	sadd.s32 s21, s24  }
0x32: {  	[tilespmem:s21+$0x4000] =	vst.msk vm0, v5  }
.Ltmp1:
0x33: {  	[tilespmem:s21+$0x7080] =	vst.msk vm0, v4;
	(pc) =	sbr.rel @p0 .LBB2_5-.Ltmp1, $2  }
0x34: {  	_ =	sdelay $0x2  }
0x35: {  	s24 =	sshra.s32 s23, $0x2;
	s23 =	sadd.s32 $0x40, s23  }
0x36: {  	v4 =	vld [tilespmem:s24+$0x1000];
	_ =	sdelay $0x4  }
0x37: {  	vm0 =	vge.s32 v4, v0;
	vm1 =	vlt.s32 v4, v1  }
0x38: {  	vm0 =	vmand vm0, vm1  }
0x39: {  	v5 =	vmpcnt.ones.xlane vm0;
	_ =	sdelay $0x1  }
0x3a: {  	(v2sf) =	vpush v5, $0x0;
	_ =	sdelay $0x4  }
0x3b: {  	v5 =	vld [tilespmem:s24+$0x0];
	_ =	sdelay $0x2  }
0x3c: {  	s23 =	spop (v2sf)  }
0x3d: {  	s21 =	sadd.s32 s21, s23  }
0x3e: {  	s22 =	sadd.s32 $0x400, s22;
	[tilespmem:s21+$0x4000] =	vst.msk vm0, v5  }
0x3f: {  	s29 =	simm.s32 $0x0;
	s28 =	sadd.s32 s0, s22;
	[tilespmem:s21+$0x7080] =	vst.msk vm0, v4  }
0x40: {  	[tilespmem:s29], [sflag:$0x1] =	stream.linear.gather [hbm4b:s28+s29], $0x1000, $0x38;
	[tilespmem:$0xA180] =	vst v63  }
0x41: {  	s22 =	sadd.s32 s2, s22  }
0x42: {  	[tilespmem:s9], [sflag:$0x1] =	stream.linear.gather [hbm4b:s22+s29], $0x1000, $0x38;
	[tilespmem:$0xA180] =	vst v63  }
0x43: {  	s30 =	spop (v2sf)  }
0x44: {  	_ =	swait.ge [sflag:s13], $0x1000  }
0x45: {  	[sflag:s13] =	ssyncset.done $0x0  }
0x46: {  	[sflag:s13] =	ssyncadd.s32 $0xFFFFF000  }
0x47: {  	_ =	swait.ge [sflag:s13], $0x1000  }
0x48: {  	[sflag:s13] =	ssyncset.done $0x0  }
0x49: {  	s31 =	simm.s32 $0x0;
	[sflag:s13] =	ssyncadd.s32 $0xFFFFF000  }
0x4a: {  	v4 =	vld [tilespmem:s31+$0x3000];
	_ =	sdelay $0x4  }
0x4b: {  	vm14 =	vge.s32 v4, v0;
	vm15 =	vlt.s32 v4, v1  }
0x4c: {  	vm0 =	vmand vm14, vm15  }
0x4d: {  	v6 =	vmpcnt.ones.xlane vm0;
	_ =	sdelay $0x1  }
0x4e: {  	v5 =	vld [tilespmem:s31+$0x2000];
	(v2sf) =	vpush v6, $0x0;
	_ =	sdelay $0x3  }
0x4f: {  	s21 =	sadd.s32 s21, s30  }
0x50: {  	[tilespmem:s21+$0x4000] =	vst.msk vm0, v5  }
0x51: {  	s23 =	simm.s32 $0x10;
	s22 =	simm.s32 $0x80;
	[tilespmem:s21+$0x7080] =	vst.msk vm0, v4  }
.LBB2_7:
0x52: {  	p0 =	sne.s32 s22, $0x3FC0;
	v4 =	vld [tilespmem:s23+$0x3000];
	_ =	sdelay $0x4  }
0x53: {  	v5 =	vld [tilespmem:s23+$0x2000];
	vm0 =	vge.s32 v4, v0;
	vm1 =	vlt.s32 v4, v1  }
0x54: {  	vm0 =	vmand vm0, vm1  }
0x55: {  	v6 =	vmpcnt.ones.xlane vm0  }
0x56: {  	s23 =	spop (v2sf)  }
0x57: {  	(v2sf) =	vpush v6, $0x0;
	s21 =	sadd.s32 s21, s23  }
0x58: {  	[tilespmem:s21+$0x4000] =	vst.msk vm0, v5  }
.Ltmp2:
0x59: {  	[tilespmem:s21+$0x7080] =	vst.msk vm0, v4;
	(pc) =	sbr.rel @p0 .LBB2_7-.Ltmp2, $2  }
0x5a: {  	_ =	sdelay $0x2  }
0x5b: {  	s23 =	sshra.s32 s22, $0x2;
	s22 =	sadd.s32 $0x40, s22  }
0x5c: {  	v4 =	vld [tilespmem:s23+$0x3000];
	_ =	sdelay $0x4  }
0x5d: {  	vm0 =	vge.s32 v4, v0;
	vm1 =	vlt.s32 v4, v1  }
0x5e: {  	vm0 =	vmand vm0, vm1  }
0x5f: {  	v5 =	vmpcnt.ones.xlane vm0;
	_ =	sdelay $0x1  }
0x60: {  	(v2sf) =	vpush v5, $0x0;
	_ =	sdelay $0x9  }
0x61: {  	s20 =	sadd.s32 $0x1, s20;
	v5 =	vld [tilespmem:s23+$0x2000]  }
0x62: {  	p0 =	sne.s32 s20, $0x27  }
.Ltmp3:
0x63: {  	_ = 	snop;
	(pc) =	sbr.rel @p0 .LBB2_4-.Ltmp3, $4  }
0x64: {  	s22 =	spop (v2sf)  }
0x65: {  	s21 =	sadd.s32 s21, s22  }
0x66: {  	[tilespmem:s21+$0x4000] =	vst.msk vm0, v5;
	s31 =	spop (v2sf)  }
0x67: {  	[tilespmem:s21+$0x7080] =	vst.msk vm0, v4;
	s21 =	sadd.s32 s21, s31  }
0x68: {  	_ =	swait.ge [sflag:s12], $0x1000  }
0x69: {  	[sflag:s12] =	ssyncset.done $0x0  }
0x6a: {  	[sflag:s12] =	ssyncadd.s32 $0xFFFFF000  }
0x6b: {  	_ =	swait.ge [sflag:s12], $0x1000  }
0x6c: {  	[sflag:s12] =	ssyncset.done $0x0  }
0x6d: {  	s19 =	simm.s32 $0x0;
	[sflag:s12] =	ssyncadd.s32 $0xFFFFF000  }
0x6e: {  	v4 =	vld [tilespmem:s19+$0x1000];
	_ =	sdelay $0x4  }
0x6f: {  	vm0 =	vge.s32 v4, v0;
	vm1 =	vlt.s32 v4, v1  }
0x70: {  	vm0 =	vmand vm0, vm1  }
0x71: {  	v6 =	vmpcnt.ones.xlane vm0;
	_ =	sdelay $0x1  }
0x72: {  	v5 =	vld [tilespmem:s19+$0x0];
	(v2sf) =	vpush v6, $0x0;
	_ =	sdelay $0x4  }
0x73: {  	[tilespmem:s21+$0x4000] =	vst.msk vm0, v5  }
0x74: {  	s20 =	simm.s32 $0x10;
	s19 =	simm.s32 $0x80;
	[tilespmem:s21+$0x7080] =	vst.msk vm0, v4  }
.LBB2_10:
0x75: {  	p0 =	sne.s32 s19, $0x3FC0;
	v4 =	vld [tilespmem:s20+$0x1000];
	_ =	sdelay $0x4  }
0x76: {  	v5 =	vld [tilespmem:s20+$0x0];
	vm0 =	vge.s32 v4, v0;
	vm1 =	vlt.s32 v4, v1  }
0x77: {  	vm0 =	vmand vm0, vm1  }
0x78: {  	v6 =	vmpcnt.ones.xlane vm0  }
0x79: {  	s20 =	spop (v2sf)  }
0x7a: {  	(v2sf) =	vpush v6, $0x0;
	s21 =	sadd.s32 s21, s20  }
0x7b: {  	[tilespmem:s21+$0x4000] =	vst.msk vm0, v5  }
.Ltmp4:
0x7c: {  	[tilespmem:s21+$0x7080] =	vst.msk vm0, v4;
	(pc) =	sbr.rel @p0 .LBB2_10-.Ltmp4, $2  }
0x7d: {  	_ =	sdelay $0x2  }
0x7e: {  	s20 =	sshra.s32 s19, $0x2;
	s19 =	sadd.s32 $0x40, s19  }
0x7f: {  	v4 =	vld [tilespmem:s20+$0x1000];
	_ =	sdelay $0x4  }
0x80: {  	vm0 =	vge.s32 v4, v0;
	vm1 =	vlt.s32 v4, v1  }
0x81: {  	vm0 =	vmand vm0, vm1  }
0x82: {  	v5 =	vmpcnt.ones.xlane vm0;
	_ =	sdelay $0x1  }
0x83: {  	(v2sf) =	vpush v5, $0x0;
	_ =	sdelay $0xa  }
0x84: {  	v5 =	vld [tilespmem:s20+$0x0];
	_ =	sdelay $0x2  }
0x85: {  	s19 =	spop (v2sf)  }
0x86: {  	s19 =	sadd.s32 s21, s19;
	s31 =	spop (v2sf)  }
0x87: {  	[tilespmem:s19+$0x4000] =	vst.msk vm0, v5;
	s20 =	sadd.s32 s19, s31  }
0x88: {  	[tilespmem:s19+$0x7080] =	vst.msk vm0, v4;
	v4 =	vmov s20  }
0x89: {  	[tilespmem:$0xA100] =	vst v4  }
0x8a: {  	[hbm4b:s5+s4] =	stream.linear.scatter [tilespmem:s14], [sflag:$0x3], $0x10, $0x38;
	[tilespmem:$0xA180] =	vst v63  }
0x8b: {  	_ =	swait.ge [sflag:s15], $0x10  }
0x8c: {  	[sflag:s15] =	ssyncset.done $0x0  }
0x8d: {  	[sflag:s15] =	ssyncadd.s32 $0xFFFFFFF0  }
0x8e: {  	[hbm4b:s6+s4] =	stream.linear.scatter [tilespmem:s16], [sflag:$0x3], $0x3000, $0x38;
	[tilespmem:$0xA180] =	vst v63  }
0x8f: {  	s18 =	sadd.s32 $0x1, s18;
	_ =	swait.ge [sflag:s15], $0x3000  }
0x90: {  	p0 =	sne.s32 s18, s8;
	[sflag:s15] =	ssyncset.done $0x0  }
.Ltmp5:
0x91: {  	[sflag:s15] =	ssyncadd.s32 $0xFFFFD000;
	(pc) =	sbr.rel @p0 .LBB2_1-.Ltmp5, $4  }
0x92: {  	[hbm4b:s7+s4] =	stream.linear.scatter [tilespmem:s17], [sflag:$0x3], $0x3000, $0x38;
	[tilespmem:$0xA180] =	vst v63  }
0x93: {  	_ =	swait.ge [sflag:s15], $0x3000  }
0x94: {  	[sflag:s15] =	ssyncset.done $0x0  }
0x95: {  	[sflag:s15] =	ssyncadd.s32 $0xFFFFD000  }
0x96: {  	_ =	sfence.sel $0x180000  }
0x97: {  	[bflag:$0x0] =	sbarrier.arrive $0xFFFF  }
0x98: {  	p0 =	sne.s32 s1, $0x0;
	_ =	strace $0x90000047  }
0x99: {  	s0 =	sadd.s32 @!p0 $0x100000, s3;
	[bflag:$0x2] =	sbarrier.arrive $0xFFFF  }
0x9a: {  	[sflag:s0] =	ssyncadd.tile.s32 @!p0 $0x1;
	_ =	shalt  }
.Lfunc_end2:
_tile_overlayer_lowered:
.L_overlay_start_2:
0x9b: {  	(tag) =	ssettag $0x2  }
0x9c: {  	s0 =	rddreg [dreg:$0x0];
	s2 =	stileid.u32  }
0x9d: {  	s1 =	rddreg [dreg:$0x1];
	p0 =	sne.s32 s2, $0x0  }
0x9e: {  	s3 =	rddreg [dreg:$0x2];
	[bflag:$0x3] =	sbarrier.arrive $0xFFFF;
	s2 =	simm.s32 @!p0 $0x1C03  }
0x9f: {  	[timem:s3], [sflag:s2] =	dma.local @!p0 [hbm:s0], s1  }
0xa0: {  	s0 =	simm.s32 @!p0 $0x3  }
0xa1: {  	_ =	swait.ge @!p0 [sflag:s0], s1  }
0xa2: {  	s1 =	ssub.s32 @!p0 $0x0, s1;
	[sflag:s0] =	ssyncset.done @!p0 $0x0  }
0xa3: {  	[sflag:s0] =	ssyncadd.s32 @!p0 s1  }
0xa4: {  	[bflag:$0x3] =	sbarrier.arrive $0xFFFF  }
0xa5: {  	_ =	shalt  }

</sc_bundles>
